<compile_context>
chip_gen: v7x
topology: tpu7x:2x2x1
jax: 0.10.2.dev20260603
libtpu: 0.0.44.dev20260713+nightly
codegen_flags: <defaults>
</compile_context>

<pallas_src>
import functools

import jax
import jax.numpy as jnp
from jax import lax
from jax.experimental import pallas as pl
from jax.experimental.pallas import tpu as pltpu
from jax.experimental.pallas import tpu_sc as plsc

B, R, N = 128, 4, 65536
B_BLK = 8
ALLOC_C = 1.0 / N

_info = plsc.get_sparse_core_info()
_NC, _NS = _info.num_cores, _info.num_subcores
_NW = _NC * _NS
_TOTAL = B * N
_PER_W = _TOTAL // _NW
_CHUNK = 32768
_N_DMA = _PER_W // _CHUNK


def _phi_kernel(fg_ref, rw_ref, phi_ref):
    for b in range(B_BLK):
        p = 1.0 - fg_ref[b, 0] * rw_ref[b, 0, :]
        p = p * (1.0 - fg_ref[b, 1] * rw_ref[b, 1, :])
        p = p * (1.0 - fg_ref[b, 2] * rw_ref[b, 2, :])
        p = p * (1.0 - fg_ref[b, 3] * rw_ref[b, 3, :])
        phi_ref[b, :] = p


@functools.partial(
    pl.kernel,
    mesh=plsc.VectorSubcoreMesh(core_axis_name="c", subcore_axis_name="s"),
    out_type=jax.ShapeDtypeStruct((_TOTAL,), jnp.float32),
    scratch_types=[pltpu.VMEM((_CHUNK,), jnp.float32)],
)
def _alloc_fill(out_hbm, buf):
    wid = lax.axis_index("s") * _NC + lax.axis_index("c")

    def body(i, carry):
        buf[pl.ds(i * 16, 16)] = jnp.full((16,), ALLOC_C, dtype=jnp.float32)
        return carry

    lax.fori_loop(0, _CHUNK // 16, body, 0)
    base = wid * _PER_W
    for j in range(_N_DMA):
        pltpu.sync_copy(buf, out_hbm.at[pl.ds(base + j * _CHUNK, _CHUNK)])


def kernel(write_weights, read_weights, free_gates, write_gate, diff_alloc):
    del write_weights, write_gate, diff_alloc
    grid = (B // B_BLK,)
    alloc = _alloc_fill().reshape(B, N)
    phi = pl.pallas_call(
        _phi_kernel,
        grid=grid,
        in_specs=[
            pl.BlockSpec((B_BLK, R), lambda i: (i, 0), memory_space=pltpu.SMEM),
            pl.BlockSpec((B_BLK, R, N), lambda i: (i, 0, 0)),
        ],
        out_specs=pl.BlockSpec((B_BLK, N), lambda i: (i, 0)),
        out_shape=jax.ShapeDtypeStruct((B, N), jnp.float32),
    )(free_gates, read_weights)
    return (alloc, phi)

# --- scband reference (transcript-rebuilt; emitter-appended) ---
"""Pipeline reference for scband-allocation-addressing-83159156785502 (READ-ONLY COPY).

The authoritative reference and input builder live on the scoring server;
editing this copy changes nothing except your own understanding.
"""

import jax, jax.numpy as jnp
import numpy as np

B, R, N = 128, 4, 65536

def setup_inputs(seed: int = 0) -> dict:
    key = jax.random.key(seed)
    ks = jax.random.split(key, 5)
    return {
        "write_weights": jax.random.uniform(ks[0], (B, N), dtype=jnp.float32),
        "read_weights": jax.random.uniform(ks[1], (B, R, N), dtype=jnp.float32),
        "free_gates": jax.random.uniform(ks[2], (B, R), dtype=jnp.float32),
        "write_gate": jax.random.uniform(ks[3], (B, 1), dtype=jnp.float32),
        "diff_alloc": jax.random.uniform(ks[4], (B, 1), dtype=jnp.float32),
    }

def reference(write_weights, read_weights, free_gates, write_gate, diff_alloc):
    # Module is stateful; this reproduces the FIRST forward after new_sequence():
    # self.usages is None -> update_usages sets usages = zeros(B, N) and returns phi.
    batch_size, n_reads, n_cells = read_weights.shape
    # phi = prod over read heads of (1 - free_gate * prev_read)  [addcmul with value=-1, then prod(-2)]
    phi = jnp.prod(1.0 - free_gates.reshape(batch_size, n_reads, 1) * read_weights, axis=-2)
    usages = jnp.zeros((batch_size, n_cells), dtype=read_weights.dtype)
    # diff_alloc is not None and write_weights is not None -> differentiable allocation branch
    one_minus_usage = 1.0 - usages
    alloc_dist = jax.nn.softmax(one_minus_usage * diff_alloc, axis=-1)
    return (alloc_dist, phi)

if __name__ == "__main__":
    import jax
    _d = setup_inputs()
    print(jax.jit(kernel)(*tuple(_d.values())))

</pallas_src>

<mosaic_0001>
#map = affine_map<(d0, d1) -> (0)>
module attributes {stable_mosaic.version = 14 : i64} {
  func.func @_alloc_fill(%arg0: i32, %arg1: i32, %arg2: memref<8388608xf32, #tpu.memory_space<hbm>>, %arg3: memref<32768xf32, #tpu.memory_space<vmem>>) attributes {dimension_semantics = [#tpu.dimension_semantics<core_parallel>, #tpu.dimension_semantics<subcore_parallel>], iteration_bounds = array<i64: 2, 16>, scalar_prefetch = 0 : i64, scratch_operands = 1 : i64, tpu.core_type = #tpu.core_type<sc_vector_subcore>, window_params = [{transform_indices = #map}]} {
    %mul3A = arith.constant 2 : i32
    %mul3A_0 = arith.muli %arg1, %mul3A : i32
    %add3A = arith.addi %mul3A_0, %arg0 : i32
    %scan3A = arith.constant 0 : i32
    %scan3A_1 = arith.constant 0 : i32
    %scan3A_2 = arith.constant 2048 : i32
    %scan3A_3 = arith.addi %scan3A_1, %scan3A_2 : i32
    %scan3A_4 = arith.constant 1 : i32
    scf.for %scan3A_24 = %scan3A_1 to %scan3A_3 step %scan3A_4  : i32 {
      %broadcast_in_dim3A = arith.constant 1.52587891E-5 : f32
      %broadcast_in_dim3A_25 = vector.broadcast %broadcast_in_dim3A : f32 to vector<16xf32>
      %mul3A_26 = arith.constant 16 : i32
      %mul3A_27 = arith.muli %scan3A_24, %mul3A_26 : i32
      %swap3A = arith.index_cast %mul3A_27 : i32 to index
      %swap3A_28 = tpu.vector_load %arg3[%swap3A] {strides = array<i32>} : memref<32768xf32, #tpu.memory_space<vmem>>, vector<16xf32>,
      %swap3A_29 = vector.shape_cast %swap3A_28 : vector<16xf32> to vector<16xf32>
      %swap3A_30 = vector.shape_cast %broadcast_in_dim3A_25 : vector<16xf32> to vector<16xf32>
      tpu.vector_store %arg3[%swap3A], %swap3A_30 {strides = array<i32>} : memref<32768xf32, #tpu.memory_space<vmem>>, vector<16xf32>,
    }
    %scan3A_5 = arith.constant 2048 : i32
    %mul3A_6 = arith.constant 262144 : i32
    %mul3A_7 = arith.muli %add3A, %mul3A_6 : i32
    %add3A_8 = arith.constant 0 : i32
    %add3A_9 = arith.addi %mul3A_7, %add3A_8 : i32
    "tpu.region"() ({
      %run_scoped3A = tpu.sem_alloc : memref<!tpu.dma_semaphore, #tpu.memory_space<semaphore_mem>>
      %dma_start3A = tpu.memref_slice %arg2[%add3A_9] : memref<8388608xf32, #tpu.memory_space<hbm>> -> memref<32768xf32, #tpu.memory_space<hbm>>
      %dma_start3A_24 = tpu.memref_slice %arg2[%add3A_9] : memref<8388608xf32, #tpu.memory_space<hbm>> -> memref<32768xf32, #tpu.memory_space<hbm>>
      tpu.enqueue_dma source(%arg3 : memref<32768xf32, #tpu.memory_space<vmem>>) target(%dma_start3A_24 : memref<32768xf32, #tpu.memory_space<hbm>>) target_semaphore(%run_scoped3A : memref<!tpu.dma_semaphore, #tpu.memory_space<semaphore_mem>>)
      %dma_wait3A = tpu.memref_slice %arg2[%add3A_9] : memref<8388608xf32, #tpu.memory_space<hbm>> -> memref<32768xf32, #tpu.memory_space<hbm>>
      %dma_wait3A_25 = tpu.memref_slice %arg2[%add3A_9] : memref<8388608xf32, #tpu.memory_space<hbm>> -> memref<32768xf32, #tpu.memory_space<hbm>>
      tpu.wait_dma2 semaphore(%run_scoped3A : memref<!tpu.dma_semaphore, #tpu.memory_space<semaphore_mem>>) src(%arg3 : memref<32768xf32, #tpu.memory_space<vmem>>) dst(%dma_wait3A_25 : memref<32768xf32, #tpu.memory_space<hbm>>)
      tpu.yield
    }) : () -> ()
    %add3A_10 = arith.constant 32768 : i32
    %add3A_11 = arith.addi %mul3A_7, %add3A_10 : i32
    "tpu.region"() ({
      %run_scoped3A = tpu.sem_alloc : memref<!tpu.dma_semaphore, #tpu.memory_space<semaphore_mem>>
      %dma_start3A = tpu.memref_slice %arg2[%add3A_11] : memref<8388608xf32, #tpu.memory_space<hbm>> -> memref<32768xf32, #tpu.memory_space<hbm>>
      %dma_start3A_24 = tpu.memref_slice %arg2[%add3A_11] : memref<8388608xf32, #tpu.memory_space<hbm>> -> memref<32768xf32, #tpu.memory_space<hbm>>
      tpu.enqueue_dma source(%arg3 : memref<32768xf32, #tpu.memory_space<vmem>>) target(%dma_start3A_24 : memref<32768xf32, #tpu.memory_space<hbm>>) target_semaphore(%run_scoped3A : memref<!tpu.dma_semaphore, #tpu.memory_space<semaphore_mem>>)
      %dma_wait3A = tpu.memref_slice %arg2[%add3A_11] : memref<8388608xf32, #tpu.memory_space<hbm>> -> memref<32768xf32, #tpu.memory_space<hbm>>
      %dma_wait3A_25 = tpu.memref_slice %arg2[%add3A_11] : memref<8388608xf32, #tpu.memory_space<hbm>> -> memref<32768xf32, #tpu.memory_space<hbm>>
      tpu.wait_dma2 semaphore(%run_scoped3A : memref<!tpu.dma_semaphore, #tpu.memory_space<semaphore_mem>>) src(%arg3 : memref<32768xf32, #tpu.memory_space<vmem>>) dst(%dma_wait3A_25 : memref<32768xf32, #tpu.memory_space<hbm>>)
      tpu.yield
    }) : () -> ()
    %add3A_12 = arith.constant 65536 : i32
    %add3A_13 = arith.addi %mul3A_7, %add3A_12 : i32
    "tpu.region"() ({
      %run_scoped3A = tpu.sem_alloc : memref<!tpu.dma_semaphore, #tpu.memory_space<semaphore_mem>>
      %dma_start3A = tpu.memref_slice %arg2[%add3A_13] : memref<8388608xf32, #tpu.memory_space<hbm>> -> memref<32768xf32, #tpu.memory_space<hbm>>
      %dma_start3A_24 = tpu.memref_slice %arg2[%add3A_13] : memref<8388608xf32, #tpu.memory_space<hbm>> -> memref<32768xf32, #tpu.memory_space<hbm>>
      tpu.enqueue_dma source(%arg3 : memref<32768xf32, #tpu.memory_space<vmem>>) target(%dma_start3A_24 : memref<32768xf32, #tpu.memory_space<hbm>>) target_semaphore(%run_scoped3A : memref<!tpu.dma_semaphore, #tpu.memory_space<semaphore_mem>>)
      %dma_wait3A = tpu.memref_slice %arg2[%add3A_13] : memref<8388608xf32, #tpu.memory_space<hbm>> -> memref<32768xf32, #tpu.memory_space<hbm>>
      %dma_wait3A_25 = tpu.memref_slice %arg2[%add3A_13] : memref<8388608xf32, #tpu.memory_space<hbm>> -> memref<32768xf32, #tpu.memory_space<hbm>>
      tpu.wait_dma2 semaphore(%run_scoped3A : memref<!tpu.dma_semaphore, #tpu.memory_space<semaphore_mem>>) src(%arg3 : memref<32768xf32, #tpu.memory_space<vmem>>) dst(%dma_wait3A_25 : memref<32768xf32, #tpu.memory_space<hbm>>)
      tpu.yield
    }) : () -> ()
    %add3A_14 = arith.constant 98304 : i32
    %add3A_15 = arith.addi %mul3A_7, %add3A_14 : i32
    "tpu.region"() ({
      %run_scoped3A = tpu.sem_alloc : memref<!tpu.dma_semaphore, #tpu.memory_space<semaphore_mem>>
      %dma_start3A = tpu.memref_slice %arg2[%add3A_15] : memref<8388608xf32, #tpu.memory_space<hbm>> -> memref<32768xf32, #tpu.memory_space<hbm>>
      %dma_start3A_24 = tpu.memref_slice %arg2[%add3A_15] : memref<8388608xf32, #tpu.memory_space<hbm>> -> memref<32768xf32, #tpu.memory_space<hbm>>
      tpu.enqueue_dma source(%arg3 : memref<32768xf32, #tpu.memory_space<vmem>>) target(%dma_start3A_24 : memref<32768xf32, #tpu.memory_space<hbm>>) target_semaphore(%run_scoped3A : memref<!tpu.dma_semaphore, #tpu.memory_space<semaphore_mem>>)
      %dma_wait3A = tpu.memref_slice %arg2[%add3A_15] : memref<8388608xf32, #tpu.memory_space<hbm>> -> memref<32768xf32, #tpu.memory_space<hbm>>
      %dma_wait3A_25 = tpu.memref_slice %arg2[%add3A_15] : memref<8388608xf32, #tpu.memory_space<hbm>> -> memref<32768xf32, #tpu.memory_space<hbm>>
      tpu.wait_dma2 semaphore(%run_scoped3A : memref<!tpu.dma_semaphore, #tpu.memory_space<semaphore_mem>>) src(%arg3 : memref<32768xf32, #tpu.memory_space<vmem>>) dst(%dma_wait3A_25 : memref<32768xf32, #tpu.memory_space<hbm>>)
      tpu.yield
    }) : () -> ()
    %add3A_16 = arith.constant 131072 : i32
    %add3A_17 = arith.addi %mul3A_7, %add3A_16 : i32
    "tpu.region"() ({
      %run_scoped3A = tpu.sem_alloc : memref<!tpu.dma_semaphore, #tpu.memory_space<semaphore_mem>>
      %dma_start3A = tpu.memref_slice %arg2[%add3A_17] : memref<8388608xf32, #tpu.memory_space<hbm>> -> memref<32768xf32, #tpu.memory_space<hbm>>
      %dma_start3A_24 = tpu.memref_slice %arg2[%add3A_17] : memref<8388608xf32, #tpu.memory_space<hbm>> -> memref<32768xf32, #tpu.memory_space<hbm>>
      tpu.enqueue_dma source(%arg3 : memref<32768xf32, #tpu.memory_space<vmem>>) target(%dma_start3A_24 : memref<32768xf32, #tpu.memory_space<hbm>>) target_semaphore(%run_scoped3A : memref<!tpu.dma_semaphore, #tpu.memory_space<semaphore_mem>>)
      %dma_wait3A = tpu.memref_slice %arg2[%add3A_17] : memref<8388608xf32, #tpu.memory_space<hbm>> -> memref<32768xf32, #tpu.memory_space<hbm>>
      %dma_wait3A_25 = tpu.memref_slice %arg2[%add3A_17] : memref<8388608xf32, #tpu.memory_space<hbm>> -> memref<32768xf32, #tpu.memory_space<hbm>>
      tpu.wait_dma2 semaphore(%run_scoped3A : memref<!tpu.dma_semaphore, #tpu.memory_space<semaphore_mem>>) src(%arg3 : memref<32768xf32, #tpu.memory_space<vmem>>) dst(%dma_wait3A_25 : memref<32768xf32, #tpu.memory_space<hbm>>)
      tpu.yield
    }) : () -> ()
    %add3A_18 = arith.constant 163840 : i32
    %add3A_19 = arith.addi %mul3A_7, %add3A_18 : i32
    "tpu.region"() ({
      %run_scoped3A = tpu.sem_alloc : memref<!tpu.dma_semaphore, #tpu.memory_space<semaphore_mem>>
      %dma_start3A = tpu.memref_slice %arg2[%add3A_19] : memref<8388608xf32, #tpu.memory_space<hbm>> -> memref<32768xf32, #tpu.memory_space<hbm>>
      %dma_start3A_24 = tpu.memref_slice %arg2[%add3A_19] : memref<8388608xf32, #tpu.memory_space<hbm>> -> memref<32768xf32, #tpu.memory_space<hbm>>
      tpu.enqueue_dma source(%arg3 : memref<32768xf32, #tpu.memory_space<vmem>>) target(%dma_start3A_24 : memref<32768xf32, #tpu.memory_space<hbm>>) target_semaphore(%run_scoped3A : memref<!tpu.dma_semaphore, #tpu.memory_space<semaphore_mem>>)
      %dma_wait3A = tpu.memref_slice %arg2[%add3A_19] : memref<8388608xf32, #tpu.memory_space<hbm>> -> memref<32768xf32, #tpu.memory_space<hbm>>
      %dma_wait3A_25 = tpu.memref_slice %arg2[%add3A_19] : memref<8388608xf32, #tpu.memory_space<hbm>> -> memref<32768xf32, #tpu.memory_space<hbm>>
      tpu.wait_dma2 semaphore(%run_scoped3A : memref<!tpu.dma_semaphore, #tpu.memory_space<semaphore_mem>>) src(%arg3 : memref<32768xf32, #tpu.memory_space<vmem>>) dst(%dma_wait3A_25 : memref<32768xf32, #tpu.memory_space<hbm>>)
      tpu.yield
    }) : () -> ()
    %add3A_20 = arith.constant 196608 : i32
    %add3A_21 = arith.addi %mul3A_7, %add3A_20 : i32
    "tpu.region"() ({
      %run_scoped3A = tpu.sem_alloc : memref<!tpu.dma_semaphore, #tpu.memory_space<semaphore_mem>>
      %dma_start3A = tpu.memref_slice %arg2[%add3A_21] : memref<8388608xf32, #tpu.memory_space<hbm>> -> memref<32768xf32, #tpu.memory_space<hbm>>
      %dma_start3A_24 = tpu.memref_slice %arg2[%add3A_21] : memref<8388608xf32, #tpu.memory_space<hbm>> -> memref<32768xf32, #tpu.memory_space<hbm>>
      tpu.enqueue_dma source(%arg3 : memref<32768xf32, #tpu.memory_space<vmem>>) target(%dma_start3A_24 : memref<32768xf32, #tpu.memory_space<hbm>>) target_semaphore(%run_scoped3A : memref<!tpu.dma_semaphore, #tpu.memory_space<semaphore_mem>>)
      %dma_wait3A = tpu.memref_slice %arg2[%add3A_21] : memref<8388608xf32, #tpu.memory_space<hbm>> -> memref<32768xf32, #tpu.memory_space<hbm>>
      %dma_wait3A_25 = tpu.memref_slice %arg2[%add3A_21] : memref<8388608xf32, #tpu.memory_space<hbm>> -> memref<32768xf32, #tpu.memory_space<hbm>>
      tpu.wait_dma2 semaphore(%run_scoped3A : memref<!tpu.dma_semaphore, #tpu.memory_space<semaphore_mem>>) src(%arg3 : memref<32768xf32, #tpu.memory_space<vmem>>) dst(%dma_wait3A_25 : memref<32768xf32, #tpu.memory_space<hbm>>)
      tpu.yield
    }) : () -> ()
    %add3A_22 = arith.constant 229376 : i32
    %add3A_23 = arith.addi %mul3A_7, %add3A_22 : i32
    "tpu.region"() ({
      %run_scoped3A = tpu.sem_alloc : memref<!tpu.dma_semaphore, #tpu.memory_space<semaphore_mem>>
      %dma_start3A = tpu.memref_slice %arg2[%add3A_23] : memref<8388608xf32, #tpu.memory_space<hbm>> -> memref<32768xf32, #tpu.memory_space<hbm>>
      %dma_start3A_24 = tpu.memref_slice %arg2[%add3A_23] : memref<8388608xf32, #tpu.memory_space<hbm>> -> memref<32768xf32, #tpu.memory_space<hbm>>
      tpu.enqueue_dma source(%arg3 : memref<32768xf32, #tpu.memory_space<vmem>>) target(%dma_start3A_24 : memref<32768xf32, #tpu.memory_space<hbm>>) target_semaphore(%run_scoped3A : memref<!tpu.dma_semaphore, #tpu.memory_space<semaphore_mem>>)
      %dma_wait3A = tpu.memref_slice %arg2[%add3A_23] : memref<8388608xf32, #tpu.memory_space<hbm>> -> memref<32768xf32, #tpu.memory_space<hbm>>
      %dma_wait3A_25 = tpu.memref_slice %arg2[%add3A_23] : memref<8388608xf32, #tpu.memory_space<hbm>> -> memref<32768xf32, #tpu.memory_space<hbm>>
      tpu.wait_dma2 semaphore(%run_scoped3A : memref<!tpu.dma_semaphore, #tpu.memory_space<semaphore_mem>>) src(%arg3 : memref<32768xf32, #tpu.memory_space<vmem>>) dst(%dma_wait3A_25 : memref<32768xf32, #tpu.memory_space<hbm>>)
      tpu.yield
    }) : () -> ()
    return
  }
}

module attributes {stable_mosaic.version = 14 : i64} {
  func.func @_phi_kernel(%arg0: i32, %arg1: memref<8x4xf32, #tpu.memory_space<smem>>, %arg2: memref<8x4x65536xf32, #tpu.memory_space<vmem>>, %arg3: memref<8x65536xf32, #tpu.memory_space<vmem>>) attributes {dimension_semantics = [#tpu.dimension_semantics<arbitrary>], iteration_bounds = array<i64: 16>, scalar_prefetch = 0 : i64, scratch_operands = 0 : i64, tpu.core_type = #tpu.core_type<tc>, window_params = [{transform_indices = @transform_0, window_bounds = array<i64: 8, 4>}, {transform_indices = @transform_1, window_bounds = array<i64: 8, 4, 65536>}, {transform_indices = @transform_2, window_bounds = array<i64: 8, 65536>}]} {
    %get3A = arith.constant 0 : index
    %get3A_0 = arith.constant 0 : index
    %get3A_1 = memref.load %arg1[%get3A, %get3A_0] : memref<8x4xf32, #tpu.memory_space<smem>>
    %get3A_2 = arith.constant 0 : index
    %get3A_3 = arith.constant 0 : index
    %get3A_4 = arith.constant 0 : index
    %get3A_5 = vector.load %arg2[%get3A_2, %get3A_3, %get3A_4] : memref<8x4x65536xf32, #tpu.memory_space<vmem>>, vector<1x1x65536xf32>
    %get3A_6 = vector.shape_cast %get3A_5 : vector<1x1x65536xf32> to vector<65536xf32>
    %mul3A = vector.broadcast %get3A_1 : f32 to vector<65536xf32>
    %mul3A_7 = arith.mulf %mul3A, %get3A_6 : vector<65536xf32>
    %sub3A = arith.constant 1.000000e+00 : f32
    %sub3A_8 = vector.broadcast %sub3A : f32 to vector<65536xf32>
    %sub3A_9 = arith.subf %sub3A_8, %mul3A_7 : vector<65536xf32>
    %get3A_10 = arith.constant 0 : index
    %get3A_11 = arith.constant 1 : index
    %get3A_12 = memref.load %arg1[%get3A_10, %get3A_11] : memref<8x4xf32, #tpu.memory_space<smem>>
    %get3A_13 = arith.constant 0 : index
    %get3A_14 = arith.constant 1 : index
    %get3A_15 = arith.constant 0 : index
    %get3A_16 = vector.load %arg2[%get3A_13, %get3A_14, %get3A_15] : memref<8x4x65536xf32, #tpu.memory_space<vmem>>, vector<1x1x65536xf32>
    %get3A_17 = vector.shape_cast %get3A_16 : vector<1x1x65536xf32> to vector<65536xf32>
    %mul3A_18 = vector.broadcast %get3A_12 : f32 to vector<65536xf32>
    %mul3A_19 = arith.mulf %mul3A_18, %get3A_17 : vector<65536xf32>
    %sub3A_20 = arith.constant 1.000000e+00 : f32
    %sub3A_21 = vector.broadcast %sub3A_20 : f32 to vector<65536xf32>
    %sub3A_22 = arith.subf %sub3A_21, %mul3A_19 : vector<65536xf32>
    %mul3A_23 = arith.mulf %sub3A_9, %sub3A_22 : vector<65536xf32>
    %get3A_24 = arith.constant 0 : index
    %get3A_25 = arith.constant 2 : index
    %get3A_26 = memref.load %arg1[%get3A_24, %get3A_25] : memref<8x4xf32, #tpu.memory_space<smem>>
    %get3A_27 = arith.constant 0 : index
    %get3A_28 = arith.constant 2 : index
    %get3A_29 = arith.constant 0 : index
    %get3A_30 = vector.load %arg2[%get3A_27, %get3A_28, %get3A_29] : memref<8x4x65536xf32, #tpu.memory_space<vmem>>, vector<1x1x65536xf32>
    %get3A_31 = vector.shape_cast %get3A_30 : vector<1x1x65536xf32> to vector<65536xf32>
    %mul3A_32 = vector.broadcast %get3A_26 : f32 to vector<65536xf32>
    %mul3A_33 = arith.mulf %mul3A_32, %get3A_31 : vector<65536xf32>
    %sub3A_34 = arith.constant 1.000000e+00 : f32
    %sub3A_35 = vector.broadcast %sub3A_34 : f32 to vector<65536xf32>
    %sub3A_36 = arith.subf %sub3A_35, %mul3A_33 : vector<65536xf32>
    %mul3A_37 = arith.mulf %mul3A_23, %sub3A_36 : vector<65536xf32>
    %get3A_38 = arith.constant 0 : index
    %get3A_39 = arith.constant 3 : index
    %get3A_40 = memref.load %arg1[%get3A_38, %get3A_39] : memref<8x4xf32, #tpu.memory_space<smem>>
    %get3A_41 = arith.constant 0 : index
    %get3A_42 = arith.constant 3 : index
    %get3A_43 = arith.constant 0 : index
    %get3A_44 = vector.load %arg2[%get3A_41, %get3A_42, %get3A_43] : memref<8x4x65536xf32, #tpu.memory_space<vmem>>, vector<1x1x65536xf32>
    %get3A_45 = vector.shape_cast %get3A_44 : vector<1x1x65536xf32> to vector<65536xf32>
    %mul3A_46 = vector.broadcast %get3A_40 : f32 to vector<65536xf32>
    %mul3A_47 = arith.mulf %mul3A_46, %get3A_45 : vector<65536xf32>
    %sub3A_48 = arith.constant 1.000000e+00 : f32
    %sub3A_49 = vector.broadcast %sub3A_48 : f32 to vector<65536xf32>
    %sub3A_50 = arith.subf %sub3A_49, %mul3A_47 : vector<65536xf32>
    %mul3A_51 = arith.mulf %mul3A_37, %sub3A_50 : vector<65536xf32>
    %swap3A = arith.constant 0 : index
    %swap3A_52 = arith.constant 0 : index
    %swap3A_53 = vector.load %arg3[%swap3A, %swap3A_52] : memref<8x65536xf32, #tpu.memory_space<vmem>>, vector<1x65536xf32>
    %swap3A_54 = vector.shape_cast %swap3A_53 : vector<1x65536xf32> to vector<65536xf32>
    %swap3A_55 = vector.shape_cast %mul3A_51 : vector<65536xf32> to vector<1x65536xf32>
    tpu.vector_store %arg3[%swap3A, %swap3A_52], %swap3A_55 {strides = array<i32>} : memref<8x65536xf32, #tpu.memory_space<vmem>>, vector<1x65536xf32>,
    %get3A_56 = arith.constant 1 : index
    %get3A_57 = arith.constant 0 : index
    %get3A_58 = memref.load %arg1[%get3A_56, %get3A_57] : memref<8x4xf32, #tpu.memory_space<smem>>
    %get3A_59 = arith.constant 1 : index
    %get3A_60 = arith.constant 0 : index
    %get3A_61 = arith.constant 0 : index
    %get3A_62 = vector.load %arg2[%get3A_59, %get3A_60, %get3A_61] : memref<8x4x65536xf32, #tpu.memory_space<vmem>>, vector<1x1x65536xf32>
    %get3A_63 = vector.shape_cast %get3A_62 : vector<1x1x65536xf32> to vector<65536xf32>
    %mul3A_64 = vector.broadcast %get3A_58 : f32 to vector<65536xf32>
    %mul3A_65 = arith.mulf %mul3A_64, %get3A_63 : vector<65536xf32>
    %sub3A_66 = arith.constant 1.000000e+00 : f32
    %sub3A_67 = vector.broadcast %sub3A_66 : f32 to vector<65536xf32>
    %sub3A_68 = arith.subf %sub3A_67, %mul3A_65 : vector<65536xf32>
    %get3A_69 = arith.constant 1 : index
    %get3A_70 = arith.constant 1 : index
    %get3A_71 = memref.load %arg1[%get3A_69, %get3A_70] : memref<8x4xf32, #tpu.memory_space<smem>>
    %get3A_72 = arith.constant 1 : index
    %get3A_73 = arith.constant 1 : index
    %get3A_74 = arith.constant 0 : index
    %get3A_75 = vector.load %arg2[%get3A_72, %get3A_73, %get3A_74] : memref<8x4x65536xf32, #tpu.memory_space<vmem>>, vector<1x1x65536xf32>
    %get3A_76 = vector.shape_cast %get3A_75 : vector<1x1x65536xf32> to vector<65536xf32>
    %mul3A_77 = vector.broadcast %get3A_71 : f32 to vector<65536xf32>
    %mul3A_78 = arith.mulf %mul3A_77, %get3A_76 : vector<65536xf32>
    %sub3A_79 = arith.constant 1.000000e+00 : f32
    %sub3A_80 = vector.broadcast %sub3A_79 : f32 to vector<65536xf32>
    %sub3A_81 = arith.subf %sub3A_80, %mul3A_78 : vector<65536xf32>
    %mul3A_82 = arith.mulf %sub3A_68, %sub3A_81 : vector<65536xf32>
    %get3A_83 = arith.constant 1 : index
    %get3A_84 = arith.constant 2 : index
    %get3A_85 = memref.load %arg1[%get3A_83, %get3A_84] : memref<8x4xf32, #tpu.memory_space<smem>>
    %get3A_86 = arith.constant 1 : index
    %get3A_87 = arith.constant 2 : index
    %get3A_88 = arith.constant 0 : index
    %get3A_89 = vector.load %arg2[%get3A_86, %get3A_87, %get3A_88] : memref<8x4x65536xf32, #tpu.memory_space<vmem>>, vector<1x1x65536xf32>
    %get3A_90 = vector.shape_cast %get3A_89 : vector<1x1x65536xf32> to vector<65536xf32>
    %mul3A_91 = vector.broadcast %get3A_85 : f32 to vector<65536xf32>
    %mul3A_92 = arith.mulf %mul3A_91, %get3A_90 : vector<65536xf32>
    %sub3A_93 = arith.constant 1.000000e+00 : f32
    %sub3A_94 = vector.broadcast %sub3A_93 : f32 to vector<65536xf32>
    %sub3A_95 = arith.subf %sub3A_94, %mul3A_92 : vector<65536xf32>
    %mul3A_96 = arith.mulf %mul3A_82, %sub3A_95 : vector<65536xf32>
    %get3A_97 = arith.constant 1 : index
    %get3A_98 = arith.constant 3 : index
    %get3A_99 = memref.load %arg1[%get3A_97, %get3A_98] : memref<8x4xf32, #tpu.memory_space<smem>>
    %get3A_100 = arith.constant 1 : index
    %get3A_101 = arith.constant 3 : index
    %get3A_102 = arith.constant 0 : index
    %get3A_103 = vector.load %arg2[%get3A_100, %get3A_101, %get3A_102] : memref<8x4x65536xf32, #tpu.memory_space<vmem>>, vector<1x1x65536xf32>
    %get3A_104 = vector.shape_cast %get3A_103 : vector<1x1x65536xf32> to vector<65536xf32>
    %mul3A_105 = vector.broadcast %get3A_99 : f32 to vector<65536xf32>
    %mul3A_106 = arith.mulf %mul3A_105, %get3A_104 : vector<65536xf32>
    %sub3A_107 = arith.constant 1.000000e+00 : f32
    %sub3A_108 = vector.broadcast %sub3A_107 : f32 to vector<65536xf32>
    %sub3A_109 = arith.subf %sub3A_108, %mul3A_106 : vector<65536xf32>
    %mul3A_110 = arith.mulf %mul3A_96, %sub3A_109 : vector<65536xf32>
    %swap3A_111 = arith.constant 1 : index
    %swap3A_112 = arith.constant 0 : index
    %swap3A_113 = vector.load %arg3[%swap3A_111, %swap3A_112] : memref<8x65536xf32, #tpu.memory_space<vmem>>, vector<1x65536xf32>
    %swap3A_114 = vector.shape_cast %swap3A_113 : vector<1x65536xf32> to vector<65536xf32>
    %swap3A_115 = vector.shape_cast %mul3A_110 : vector<65536xf32> to vector<1x65536xf32>
    tpu.vector_store %arg3[%swap3A_111, %swap3A_112], %swap3A_115 {strides = array<i32>} : memref<8x65536xf32, #tpu.memory_space<vmem>>, vector<1x65536xf32>,
    %get3A_116 = arith.constant 2 : index
    %get3A_117 = arith.constant 0 : index
    %get3A_118 = memref.load %arg1[%get3A_116, %get3A_117] : memref<8x4xf32, #tpu.memory_space<smem>>
    %get3A_119 = arith.constant 2 : index
    %get3A_120 = arith.constant 0 : index
    %get3A_121 = arith.constant 0 : index
    %get3A_122 = vector.load %arg2[%get3A_119, %get3A_120, %get3A_121] : memref<8x4x65536xf32, #tpu.memory_space<vmem>>, vector<1x1x65536xf32>
    %get3A_123 = vector.shape_cast %get3A_122 : vector<1x1x65536xf32> to vector<65536xf32>
    %mul3A_124 = vector.broadcast %get3A_118 : f32 to vector<65536xf32>
    %mul3A_125 = arith.mulf %mul3A_124, %get3A_123 : vector<65536xf32>
    %sub3A_126 = arith.constant 1.000000e+00 : f32
    %sub3A_127 = vector.broadcast %sub3A_126 : f32 to vector<65536xf32>
    %sub3A_128 = arith.subf %sub3A_127, %mul3A_125 : vector<65536xf32>
    %get3A_129 = arith.constant 2 : index
    %get3A_130 = arith.constant 1 : index
    %get3A_131 = memref.load %arg1[%get3A_129, %get3A_130] : memref<8x4xf32, #tpu.memory_space<smem>>
    %get3A_132 = arith.constant 2 : index
    %get3A_133 = arith.constant 1 : index
    %get3A_134 = arith.constant 0 : index
    %get3A_135 = vector.load %arg2[%get3A_132, %get3A_133, %get3A_134] : memref<8x4x65536xf32, #tpu.memory_space<vmem>>, vector<1x1x65536xf32>
    %get3A_136 = vector.shape_cast %get3A_135 : vector<1x1x65536xf32> to vector<65536xf32>
    %mul3A_137 = vector.broadcast %get3A_131 : f32 to vector<65536xf32>
    %mul3A_138 = arith.mulf %mul3A_137, %get3A_136 : vector<65536xf32>
    %sub3A_139 = arith.constant 1.000000e+00 : f32
    %sub3A_140 = vector.broadcast %sub3A_139 : f32 to vector<65536xf32>
    %sub3A_141 = arith.subf %sub3A_140, %mul3A_138 : vector<65536xf32>
    %mul3A_142 = arith.mulf %sub3A_128, %sub3A_141 : vector<65536xf32>
    %get3A_143 = arith.constant 2 : index
    %get3A_144 = arith.constant 2 : index
    %get3A_145 = memref.load %arg1[%get3A_143, %get3A_144] : memref<8x4xf32, #tpu.memory_space<smem>>
    %get3A_146 = arith.constant 2 : index
    %get3A_147 = arith.constant 2 : index
    %get3A_148 = arith.constant 0 : index
    %get3A_149 = vector.load %arg2[%get3A_146, %get3A_147, %get3A_148] : memref<8x4x65536xf32, #tpu.memory_space<vmem>>, vector<1x1x65536xf32>
    %get3A_150 = vector.shape_cast %get3A_149 : vector<1x1x65536xf32> to vector<65536xf32>
    %mul3A_151 = vector.broadcast %get3A_145 : f32 to vector<65536xf32>
    %mul3A_152 = arith.mulf %mul3A_151, %get3A_150 : vector<65536xf32>
    %sub3A_153 = arith.constant 1.000000e+00 : f32
    %sub3A_154 = vector.broadcast %sub3A_153 : f32 to vector<65536xf32>
    %sub3A_155 = arith.subf %sub3A_154, %mul3A_152 : vector<65536xf32>
    %mul3A_156 = arith.mulf %mul3A_142, %sub3A_155 : vector<65536xf32>
    %get3A_157 = arith.constant 2 : index
    %get3A_158 = arith.constant 3 : index
    %get3A_159 = memref.load %arg1[%get3A_157, %get3A_158] : memref<8x4xf32, #tpu.memory_space<smem>>
    %get3A_160 = arith.constant 2 : index
    %get3A_161 = arith.constant 3 : index
    %get3A_162 = arith.constant 0 : index
    %get3A_163 = vector.load %arg2[%get3A_160, %get3A_161, %get3A_162] : memref<8x4x65536xf32, #tpu.memory_space<vmem>>, vector<1x1x65536xf32>
    %get3A_164 = vector.shape_cast %get3A_163 : vector<1x1x65536xf32> to vector<65536xf32>
    %mul3A_165 = vector.broadcast %get3A_159 : f32 to vector<65536xf32>
    %mul3A_166 = arith.mulf %mul3A_165, %get3A_164 : vector<65536xf32>
    %sub3A_167 = arith.constant 1.000000e+00 : f32
    %sub3A_168 = vector.broadcast %sub3A_167 : f32 to vector<65536xf32>
    %sub3A_169 = arith.subf %sub3A_168, %mul3A_166 : vector<65536xf32>
    %mul3A_170 = arith.mulf %mul3A_156, %sub3A_169 : vector<65536xf32>
    %swap3A_171 = arith.constant 2 : index
    %swap3A_172 = arith.constant 0 : index
    %swap3A_173 = vector.load %arg3[%swap3A_171, %swap3A_172] : memref<8x65536xf32, #tpu.memory_space<vmem>>, vector<1x65536xf32>
    %swap3A_174 = vector.shape_cast %swap3A_173 : vector<1x65536xf32> to vector<65536xf32>
    %swap3A_175 = vector.shape_cast %mul3A_170 : vector<65536xf32> to vector<1x65536xf32>
    tpu.vector_store %arg3[%swap3A_171, %swap3A_172], %swap3A_175 {strides = array<i32>} : memref<8x65536xf32, #tpu.memory_space<vmem>>, vector<1x65536xf32>,
    %get3A_176 = arith.constant 3 : index
    %get3A_177 = arith.constant 0 : index
    %get3A_178 = memref.load %arg1[%get3A_176, %get3A_177] : memref<8x4xf32, #tpu.memory_space<smem>>
    %get3A_179 = arith.constant 3 : index
    %get3A_180 = arith.constant 0 : index
    %get3A_181 = arith.constant 0 : index
    %get3A_182 = vector.load %arg2[%get3A_179, %get3A_180, %get3A_181] : memref<8x4x65536xf32, #tpu.memory_space<vmem>>, vector<1x1x65536xf32>
    %get3A_183 = vector.shape_cast %get3A_182 : vector<1x1x65536xf32> to vector<65536xf32>
    %mul3A_184 = vector.broadcast %get3A_178 : f32 to vector<65536xf32>
    %mul3A_185 = arith.mulf %mul3A_184, %get3A_183 : vector<65536xf32>
    %sub3A_186 = arith.constant 1.000000e+00 : f32
    %sub3A_187 = vector.broadcast %sub3A_186 : f32 to vector<65536xf32>
    %sub3A_188 = arith.subf %sub3A_187, %mul3A_185 : vector<65536xf32>
    %get3A_189 = arith.constant 3 : index
    %get3A_190 = arith.constant 1 : index
    %get3A_191 = memref.load %arg1[%get3A_189, %get3A_190] : memref<8x4xf32, #tpu.memory_space<smem>>
    %get3A_192 = arith.constant 3 : index
    %get3A_193 = arith.constant 1 : index
    %get3A_194 = arith.constant 0 : index
    %get3A_195 = vector.load %arg2[%get3A_192, %get3A_193, %get3A_194] : memref<8x4x65536xf32, #tpu.memory_space<vmem>>, vector<1x1x65536xf32>
    %get3A_196 = vector.shape_cast %get3A_195 : vector<1x1x65536xf32> to vector<65536xf32>
    %mul3A_197 = vector.broadcast %get3A_191 : f32 to vector<65536xf32>
    %mul3A_198 = arith.mulf %mul3A_197, %get3A_196 : vector<65536xf32>
    %sub3A_199 = arith.constant 1.000000e+00 : f32
    %sub3A_200 = vector.broadcast %sub3A_199 : f32 to vector<65536xf32>
    %sub3A_201 = arith.subf %sub3A_200, %mul3A_198 : vector<65536xf32>
    %mul3A_202 = arith.mulf %sub3A_188, %sub3A_201 : vector<65536xf32>
    %get3A_203 = arith.constant 3 : index
    %get3A_204 = arith.constant 2 : index
    %get3A_205 = memref.load %arg1[%get3A_203, %get3A_204] : memref<8x4xf32, #tpu.memory_space<smem>>
    %get3A_206 = arith.constant 3 : index
    %get3A_207 = arith.constant 2 : index
    %get3A_208 = arith.constant 0 : index
    %get3A_209 = vector.load %arg2[%get3A_206, %get3A_207, %get3A_208] : memref<8x4x65536xf32, #tpu.memory_space<vmem>>, vector<1x1x65536xf32>
    %get3A_210 = vector.shape_cast %get3A_209 : vector<1x1x65536xf32> to vector<65536xf32>
    %mul3A_211 = vector.broadcast %get3A_205 : f32 to vector<65536xf32>
    %mul3A_212 = arith.mulf %mul3A_211, %get3A_210 : vector<65536xf32>
    %sub3A_213 = arith.constant 1.000000e+00 : f32
    %sub3A_214 = vector.broadcast %sub3A_213 : f32 to vector<65536xf32>
    %sub3A_215 = arith.subf %sub3A_214, %mul3A_212 : vector<65536xf32>
    %mul3A_216 = arith.mulf %mul3A_202, %sub3A_215 : vector<65536xf32>
    %get3A_217 = arith.constant 3 : index
    %get3A_218 = arith.constant 3 : index
    %get3A_219 = memref.load %arg1[%get3A_217, %get3A_218] : memref<8x4xf32, #tpu.memory_space<smem>>
    %get3A_220 = arith.constant 3 : index
    %get3A_221 = arith.constant 3 : index
    %get3A_222 = arith.constant 0 : index
    %get3A_223 = vector.load %arg2[%get3A_220, %get3A_221, %get3A_222] : memref<8x4x65536xf32, #tpu.memory_space<vmem>>, vector<1x1x65536xf32>
    %get3A_224 = vector.shape_cast %get3A_223 : vector<1x1x65536xf32> to vector<65536xf32>
    %mul3A_225 = vector.broadcast %get3A_219 : f32 to vector<65536xf32>
    %mul3A_226 = arith.mulf %mul3A_225, %get3A_224 : vector<65536xf32>
    %sub3A_227 = arith.constant 1.000000e+00 : f32
    %sub3A_228 = vector.broadcast %sub3A_227 : f32 to vector<65536xf32>
    %sub3A_229 = arith.subf %sub3A_228, %mul3A_226 : vector<65536xf32>
    %mul3A_230 = arith.mulf %mul3A_216, %sub3A_229 : vector<65536xf32>
    %swap3A_231 = arith.constant 3 : index
    %swap3A_232 = arith.constant 0 : index
    %swap3A_233 = vector.load %arg3[%swap3A_231, %swap3A_232] : memref<8x65536xf32, #tpu.memory_space<vmem>>, vector<1x65536xf32>
    %swap3A_234 = vector.shape_cast %swap3A_233 : vector<1x65536xf32> to vector<65536xf32>
    %swap3A_235 = vector.shape_cast %mul3A_230 : vector<65536xf32> to vector<1x65536xf32>
    tpu.vector_store %arg3[%swap3A_231, %swap3A_232], %swap3A_235 {strides = array<i32>} : memref<8x65536xf32, #tpu.memory_space<vmem>>, vector<1x65536xf32>,
    %get3A_236 = arith.constant 4 : index
    %get3A_237 = arith.constant 0 : index
    %get3A_238 = memref.load %arg1[%get3A_236, %get3A_237] : memref<8x4xf32, #tpu.memory_space<smem>>
    %get3A_239 = arith.constant 4 : index
    %get3A_240 = arith.constant 0 : index
    %get3A_241 = arith.constant 0 : index
    %get3A_242 = vector.load %arg2[%get3A_239, %get3A_240, %get3A_241] : memref<8x4x65536xf32, #tpu.memory_space<vmem>>, vector<1x1x65536xf32>
    %get3A_243 = vector.shape_cast %get3A_242 : vector<1x1x65536xf32> to vector<65536xf32>
    %mul3A_244 = vector.broadcast %get3A_238 : f32 to vector<65536xf32>
    %mul3A_245 = arith.mulf %mul3A_244, %get3A_243 : vector<65536xf32>
    %sub3A_246 = arith.constant 1.000000e+00 : f32
    %sub3A_247 = vector.broadcast %sub3A_246 : f32 to vector<65536xf32>
    %sub3A_248 = arith.subf %sub3A_247, %mul3A_245 : vector<65536xf32>
    %get3A_249 = arith.constant 4 : index
    %get3A_250 = arith.constant 1 : index
    %get3A_251 = memref.load %arg1[%get3A_249, %get3A_250] : memref<8x4xf32, #tpu.memory_space<smem>>
    %get3A_252 = arith.constant 4 : index
    %get3A_253 = arith.constant 1 : index
    %get3A_254 = arith.constant 0 : index
    %get3A_255 = vector.load %arg2[%get3A_252, %get3A_253, %get3A_254] : memref<8x4x65536xf32, #tpu.memory_space<vmem>>, vector<1x1x65536xf32>
    %get3A_256 = vector.shape_cast %get3A_255 : vector<1x1x65536xf32> to vector<65536xf32>
    %mul3A_257 = vector.broadcast %get3A_251 : f32 to vector<65536xf32>
    %mul3A_258 = arith.mulf %mul3A_257, %get3A_256 : vector<65536xf32>
    %sub3A_259 = arith.constant 1.000000e+00 : f32
    %sub3A_260 = vector.broadcast %sub3A_259 : f32 to vector<65536xf32>
    %sub3A_261 = arith.subf %sub3A_260, %mul3A_258 : vector<65536xf32>
    %mul3A_262 = arith.mulf %sub3A_248, %sub3A_261 : vector<65536xf32>
    %get3A_263 = arith.constant 4 : index
    %get3A_264 = arith.constant 2 : index
    %get3A_265 = memref.load %arg1[%get3A_263, %get3A_264] : memref<8x4xf32, #tpu.memory_space<smem>>
    %get3A_266 = arith.constant 4 : index
    %get3A_267 = arith.constant 2 : index
    %get3A_268 = arith.constant 0 : index
    %get3A_269 = vector.load %arg2[%get3A_266, %get3A_267, %get3A_268] : memref<8x4x65536xf32, #tpu.memory_space<vmem>>, vector<1x1x65536xf32>
    %get3A_270 = vector.shape_cast %get3A_269 : vector<1x1x65536xf32> to vector<65536xf32>
    %mul3A_271 = vector.broadcast %get3A_265 : f32 to vector<65536xf32>
    %mul3A_272 = arith.mulf %mul3A_271, %get3A_270 : vector<65536xf32>
    %sub3A_273 = arith.constant 1.000000e+00 : f32
    %sub3A_274 = vector.broadcast %sub3A_273 : f32 to vector<65536xf32>
    %sub3A_275 = arith.subf %sub3A_274, %mul3A_272 : vector<65536xf32>
    %mul3A_276 = arith.mulf %mul3A_262, %sub3A_275 : vector<65536xf32>
    %get3A_277 = arith.constant 4 : index
    %get3A_278 = arith.constant 3 : index
    %get3A_279 = memref.load %arg1[%get3A_277, %get3A_278] : memref<8x4xf32, #tpu.memory_space<smem>>
    %get3A_280 = arith.constant 4 : index
    %get3A_281 = arith.constant 3 : index
    %get3A_282 = arith.constant 0 : index
    %get3A_283 = vector.load %arg2[%get3A_280, %get3A_281, %get3A_282] : memref<8x4x65536xf32, #tpu.memory_space<vmem>>, vector<1x1x65536xf32>
    %get3A_284 = vector.shape_cast %get3A_283 : vector<1x1x65536xf32> to vector<65536xf32>
    %mul3A_285 = vector.broadcast %get3A_279 : f32 to vector<65536xf32>
    %mul3A_286 = arith.mulf %mul3A_285, %get3A_284 : vector<65536xf32>
    %sub3A_287 = arith.constant 1.000000e+00 : f32
    %sub3A_288 = vector.broadcast %sub3A_287 : f32 to vector<65536xf32>
    %sub3A_289 = arith.subf %sub3A_288, %mul3A_286 : vector<65536xf32>
    %mul3A_290 = arith.mulf %mul3A_276, %sub3A_289 : vector<65536xf32>
    %swap3A_291 = arith.constant 4 : index
    %swap3A_292 = arith.constant 0 : index
    %swap3A_293 = vector.load %arg3[%swap3A_291, %swap3A_292] : memref<8x65536xf32, #tpu.memory_space<vmem>>, vector<1x65536xf32>
    %swap3A_294 = vector.shape_cast %swap3A_293 : vector<1x65536xf32> to vector<65536xf32>
    %swap3A_295 = vector.shape_cast %mul3A_290 : vector<65536xf32> to vector<1x65536xf32>
    tpu.vector_store %arg3[%swap3A_291, %swap3A_292], %swap3A_295 {strides = array<i32>} : memref<8x65536xf32, #tpu.memory_space<vmem>>, vector<1x65536xf32>,
    %get3A_296 = arith.constant 5 : index
    %get3A_297 = arith.constant 0 : index
    %get3A_298 = memref.load %arg1[%get3A_296, %get3A_297] : memref<8x4xf32, #tpu.memory_space<smem>>
    %get3A_299 = arith.constant 5 : index
    %get3A_300 = arith.constant 0 : index
    %get3A_301 = arith.constant 0 : index
    %get3A_302 = vector.load %arg2[%get3A_299, %get3A_300, %get3A_301] : memref<8x4x65536xf32, #tpu.memory_space<vmem>>, vector<1x1x65536xf32>
    %get3A_303 = vector.shape_cast %get3A_302 : vector<1x1x65536xf32> to vector<65536xf32>
    %mul3A_304 = vector.broadcast %get3A_298 : f32 to vector<65536xf32>
    %mul3A_305 = arith.mulf %mul3A_304, %get3A_303 : vector<65536xf32>
    %sub3A_306 = arith.constant 1.000000e+00 : f32
    %sub3A_307 = vector.broadcast %sub3A_306 : f32 to vector<65536xf32>
    %sub3A_308 = arith.subf %sub3A_307, %mul3A_305 : vector<65536xf32>
    %get3A_309 = arith.constant 5 : index
    %get3A_310 = arith.constant 1 : index
    %get3A_311 = memref.load %arg1[%get3A_309, %get3A_310] : memref<8x4xf32, #tpu.memory_space<smem>>
    %get3A_312 = arith.constant 5 : index
    %get3A_313 = arith.constant 1 : index
    %get3A_314 = arith.constant 0 : index
    %get3A_315 = vector.load %arg2[%get3A_312, %get3A_313, %get3A_314] : memref<8x4x65536xf32, #tpu.memory_space<vmem>>, vector<1x1x65536xf32>
    %get3A_316 = vector.shape_cast %get3A_315 : vector<1x1x65536xf32> to vector<65536xf32>
    %mul3A_317 = vector.broadcast %get3A_311 : f32 to vector<65536xf32>
    %mul3A_318 = arith.mulf %mul3A_317, %get3A_316 : vector<65536xf32>
    %sub3A_319 = arith.constant 1.000000e+00 : f32
    %sub3A_320 = vector.broadcast %sub3A_319 : f32 to vector<65536xf32>
    %sub3A_321 = arith.subf %sub3A_320, %mul3A_318 : vector<65536xf32>
    %mul3A_322 = arith.mulf %sub3A_308, %sub3A_321 : vector<65536xf32>
    %get3A_323 = arith.constant 5 : index
    %get3A_324 = arith.constant 2 : index
    %get3A_325 = memref.load %arg1[%get3A_323, %get3A_324] : memref<8x4xf32, #tpu.memory_space<smem>>
    %get3A_326 = arith.constant 5 : index
    %get3A_327 = arith.constant 2 : index
    %get3A_328 = arith.constant 0 : index
    %get3A_329 = vector.load %arg2[%get3A_326, %get3A_327, %get3A_328] : memref<8x4x65536xf32, #tpu.memory_space<vmem>>, vector<1x1x65536xf32>
    %get3A_330 = vector.shape_cast %get3A_329 : vector<1x1x65536xf32> to vector<65536xf32>
    %mul3A_331 = vector.broadcast %get3A_325 : f32 to vector<65536xf32>
    %mul3A_332 = arith.mulf %mul3A_331, %get3A_330 : vector<65536xf32>
    %sub3A_333 = arith.constant 1.000000e+00 : f32
    %sub3A_334 = vector.broadcast %sub3A_333 : f32 to vector<65536xf32>
    %sub3A_335 = arith.subf %sub3A_334, %mul3A_332 : vector<65536xf32>
    %mul3A_336 = arith.mulf %mul3A_322, %sub3A_335 : vector<65536xf32>
    %get3A_337 = arith.constant 5 : index
    %get3A_338 = arith.constant 3 : index
    %get3A_339 = memref.load %arg1[%get3A_337, %get3A_338] : memref<8x4xf32, #tpu.memory_space<smem>>
    %get3A_340 = arith.constant 5 : index
    %get3A_341 = arith.constant 3 : index
    %get3A_342 = arith.constant 0 : index
    %get3A_343 = vector.load %arg2[%get3A_340, %get3A_341, %get3A_342] : memref<8x4x65536xf32, #tpu.memory_space<vmem>>, vector<1x1x65536xf32>
    %get3A_344 = vector.shape_cast %get3A_343 : vector<1x1x65536xf32> to vector<65536xf32>
    %mul3A_345 = vector.broadcast %get3A_339 : f32 to vector<65536xf32>
    %mul3A_346 = arith.mulf %mul3A_345, %get3A_344 : vector<65536xf32>
    %sub3A_347 = arith.constant 1.000000e+00 : f32
    %sub3A_348 = vector.broadcast %sub3A_347 : f32 to vector<65536xf32>
    %sub3A_349 = arith.subf %sub3A_348, %mul3A_346 : vector<65536xf32>
    %mul3A_350 = arith.mulf %mul3A_336, %sub3A_349 : vector<65536xf32>
    %swap3A_351 = arith.constant 5 : index
    %swap3A_352 = arith.constant 0 : index
    %swap3A_353 = vector.load %arg3[%swap3A_351, %swap3A_352] : memref<8x65536xf32, #tpu.memory_space<vmem>>, vector<1x65536xf32>
    %swap3A_354 = vector.shape_cast %swap3A_353 : vector<1x65536xf32> to vector<65536xf32>
    %swap3A_355 = vector.shape_cast %mul3A_350 : vector<65536xf32> to vector<1x65536xf32>
    tpu.vector_store %arg3[%swap3A_351, %swap3A_352], %swap3A_355 {strides = array<i32>} : memref<8x65536xf32, #tpu.memory_space<vmem>>, vector<1x65536xf32>,
    %get3A_356 = arith.constant 6 : index
    %get3A_357 = arith.constant 0 : index
    %get3A_358 = memref.load %arg1[%get3A_356, %get3A_357] : memref<8x4xf32, #tpu.memory_space<smem>>
    %get3A_359 = arith.constant 6 : index
    %get3A_360 = arith.constant 0 : index
    %get3A_361 = arith.constant 0 : index
    %get3A_362 = vector.load %arg2[%get3A_359, %get3A_360, %get3A_361] : memref<8x4x65536xf32, #tpu.memory_space<vmem>>, vector<1x1x65536xf32>
    %get3A_363 = vector.shape_cast %get3A_362 : vector<1x1x65536xf32> to vector<65536xf32>
    %mul3A_364 = vector.broadcast %get3A_358 : f32 to vector<65536xf32>
    %mul3A_365 = arith.mulf %mul3A_364, %get3A_363 : vector<65536xf32>
    %sub3A_366 = arith.constant 1.000000e+00 : f32
    %sub3A_367 = vector.broadcast %sub3A_366 : f32 to vector<65536xf32>
    %sub3A_368 = arith.subf %sub3A_367, %mul3A_365 : vector<65536xf32>
    %get3A_369 = arith.constant 6 : index
    %get3A_370 = arith.constant 1 : index
    %get3A_371 = memref.load %arg1[%get3A_369, %get3A_370] : memref<8x4xf32, #tpu.memory_space<smem>>
    %get3A_372 = arith.constant 6 : index
    %get3A_373 = arith.constant 1 : index
    %get3A_374 = arith.constant 0 : index
    %get3A_375 = vector.load %arg2[%get3A_372, %get3A_373, %get3A_374] : memref<8x4x65536xf32, #tpu.memory_space<vmem>>, vector<1x1x65536xf32>
    %get3A_376 = vector.shape_cast %get3A_375 : vector<1x1x65536xf32> to vector<65536xf32>
    %mul3A_377 = vector.broadcast %get3A_371 : f32 to vector<65536xf32>
    %mul3A_378 = arith.mulf %mul3A_377, %get3A_376 : vector<65536xf32>
    %sub3A_379 = arith.constant 1.000000e+00 : f32
    %sub3A_380 = vector.broadcast %sub3A_379 : f32 to vector<65536xf32>
    %sub3A_381 = arith.subf %sub3A_380, %mul3A_378 : vector<65536xf32>
    %mul3A_382 = arith.mulf %sub3A_368, %sub3A_381 : vector<65536xf32>
    %get3A_383 = arith.constant 6 : index
    %get3A_384 = arith.constant 2 : index
    %get3A_385 = memref.load %arg1[%get3A_383, %get3A_384] : memref<8x4xf32, #tpu.memory_space<smem>>
    %get3A_386 = arith.constant 6 : index
    %get3A_387 = arith.constant 2 : index
    %get3A_388 = arith.constant 0 : index
    %get3A_389 = vector.load %arg2[%get3A_386, %get3A_387, %get3A_388] : memref<8x4x65536xf32, #tpu.memory_space<vmem>>, vector<1x1x65536xf32>
    %get3A_390 = vector.shape_cast %get3A_389 : vector<1x1x65536xf32> to vector<65536xf32>
    %mul3A_391 = vector.broadcast %get3A_385 : f32 to vector<65536xf32>
    %mul3A_392 = arith.mulf %mul3A_391, %get3A_390 : vector<65536xf32>
    %sub3A_393 = arith.constant 1.000000e+00 : f32
    %sub3A_394 = vector.broadcast %sub3A_393 : f32 to vector<65536xf32>
    %sub3A_395 = arith.subf %sub3A_394, %mul3A_392 : vector<65536xf32>
    %mul3A_396 = arith.mulf %mul3A_382, %sub3A_395 : vector<65536xf32>
    %get3A_397 = arith.constant 6 : index
    %get3A_398 = arith.constant 3 : index
    %get3A_399 = memref.load %arg1[%get3A_397, %get3A_398] : memref<8x4xf32, #tpu.memory_space<smem>>
    %get3A_400 = arith.constant 6 : index
    %get3A_401 = arith.constant 3 : index
    %get3A_402 = arith.constant 0 : index
    %get3A_403 = vector.load %arg2[%get3A_400, %get3A_401, %get3A_402] : memref<8x4x65536xf32, #tpu.memory_space<vmem>>, vector<1x1x65536xf32>
    %get3A_404 = vector.shape_cast %get3A_403 : vector<1x1x65536xf32> to vector<65536xf32>
    %mul3A_405 = vector.broadcast %get3A_399 : f32 to vector<65536xf32>
    %mul3A_406 = arith.mulf %mul3A_405, %get3A_404 : vector<65536xf32>
    %sub3A_407 = arith.constant 1.000000e+00 : f32
    %sub3A_408 = vector.broadcast %sub3A_407 : f32 to vector<65536xf32>
    %sub3A_409 = arith.subf %sub3A_408, %mul3A_406 : vector<65536xf32>
    %mul3A_410 = arith.mulf %mul3A_396, %sub3A_409 : vector<65536xf32>
    %swap3A_411 = arith.constant 6 : index
    %swap3A_412 = arith.constant 0 : index
    %swap3A_413 = vector.load %arg3[%swap3A_411, %swap3A_412] : memref<8x65536xf32, #tpu.memory_space<vmem>>, vector<1x65536xf32>
    %swap3A_414 = vector.shape_cast %swap3A_413 : vector<1x65536xf32> to vector<65536xf32>
    %swap3A_415 = vector.shape_cast %mul3A_410 : vector<65536xf32> to vector<1x65536xf32>
    tpu.vector_store %arg3[%swap3A_411, %swap3A_412], %swap3A_415 {strides = array<i32>} : memref<8x65536xf32, #tpu.memory_space<vmem>>, vector<1x65536xf32>,
    %get3A_416 = arith.constant 7 : index
    %get3A_417 = arith.constant 0 : index
    %get3A_418 = memref.load %arg1[%get3A_416, %get3A_417] : memref<8x4xf32, #tpu.memory_space<smem>>
    %get3A_419 = arith.constant 7 : index
    %get3A_420 = arith.constant 0 : index
    %get3A_421 = arith.constant 0 : index
    %get3A_422 = vector.load %arg2[%get3A_419, %get3A_420, %get3A_421] : memref<8x4x65536xf32, #tpu.memory_space<vmem>>, vector<1x1x65536xf32>
    %get3A_423 = vector.shape_cast %get3A_422 : vector<1x1x65536xf32> to vector<65536xf32>
    %mul3A_424 = vector.broadcast %get3A_418 : f32 to vector<65536xf32>
    %mul3A_425 = arith.mulf %mul3A_424, %get3A_423 : vector<65536xf32>
    %sub3A_426 = arith.constant 1.000000e+00 : f32
    %sub3A_427 = vector.broadcast %sub3A_426 : f32 to vector<65536xf32>
    %sub3A_428 = arith.subf %sub3A_427, %mul3A_425 : vector<65536xf32>
    %get3A_429 = arith.constant 7 : index
    %get3A_430 = arith.constant 1 : index
    %get3A_431 = memref.load %arg1[%get3A_429, %get3A_430] : memref<8x4xf32, #tpu.memory_space<smem>>
    %get3A_432 = arith.constant 7 : index
    %get3A_433 = arith.constant 1 : index
    %get3A_434 = arith.constant 0 : index
    %get3A_435 = vector.load %arg2[%get3A_432, %get3A_433, %get3A_434] : memref<8x4x65536xf32, #tpu.memory_space<vmem>>, vector<1x1x65536xf32>
    %get3A_436 = vector.shape_cast %get3A_435 : vector<1x1x65536xf32> to vector<65536xf32>
    %mul3A_437 = vector.broadcast %get3A_431 : f32 to vector<65536xf32>
    %mul3A_438 = arith.mulf %mul3A_437, %get3A_436 : vector<65536xf32>
    %sub3A_439 = arith.constant 1.000000e+00 : f32
    %sub3A_440 = vector.broadcast %sub3A_439 : f32 to vector<65536xf32>
    %sub3A_441 = arith.subf %sub3A_440, %mul3A_438 : vector<65536xf32>
    %mul3A_442 = arith.mulf %sub3A_428, %sub3A_441 : vector<65536xf32>
    %get3A_443 = arith.constant 7 : index
    %get3A_444 = arith.constant 2 : index
    %get3A_445 = memref.load %arg1[%get3A_443, %get3A_444] : memref<8x4xf32, #tpu.memory_space<smem>>
    %get3A_446 = arith.constant 7 : index
    %get3A_447 = arith.constant 2 : index
    %get3A_448 = arith.constant 0 : index
    %get3A_449 = vector.load %arg2[%get3A_446, %get3A_447, %get3A_448] : memref<8x4x65536xf32, #tpu.memory_space<vmem>>, vector<1x1x65536xf32>
    %get3A_450 = vector.shape_cast %get3A_449 : vector<1x1x65536xf32> to vector<65536xf32>
    %mul3A_451 = vector.broadcast %get3A_445 : f32 to vector<65536xf32>
    %mul3A_452 = arith.mulf %mul3A_451, %get3A_450 : vector<65536xf32>
    %sub3A_453 = arith.constant 1.000000e+00 : f32
    %sub3A_454 = vector.broadcast %sub3A_453 : f32 to vector<65536xf32>
    %sub3A_455 = arith.subf %sub3A_454, %mul3A_452 : vector<65536xf32>
    %mul3A_456 = arith.mulf %mul3A_442, %sub3A_455 : vector<65536xf32>
    %get3A_457 = arith.constant 7 : index
    %get3A_458 = arith.constant 3 : index
    %get3A_459 = memref.load %arg1[%get3A_457, %get3A_458] : memref<8x4xf32, #tpu.memory_space<smem>>
    %get3A_460 = arith.constant 7 : index
    %get3A_461 = arith.constant 3 : index
    %get3A_462 = arith.constant 0 : index
    %get3A_463 = vector.load %arg2[%get3A_460, %get3A_461, %get3A_462] : memref<8x4x65536xf32, #tpu.memory_space<vmem>>, vector<1x1x65536xf32>
    %get3A_464 = vector.shape_cast %get3A_463 : vector<1x1x65536xf32> to vector<65536xf32>
    %mul3A_465 = vector.broadcast %get3A_459 : f32 to vector<65536xf32>
    %mul3A_466 = arith.mulf %mul3A_465, %get3A_464 : vector<65536xf32>
    %sub3A_467 = arith.constant 1.000000e+00 : f32
    %sub3A_468 = vector.broadcast %sub3A_467 : f32 to vector<65536xf32>
    %sub3A_469 = arith.subf %sub3A_468, %mul3A_466 : vector<65536xf32>
    %mul3A_470 = arith.mulf %mul3A_456, %sub3A_469 : vector<65536xf32>
    %swap3A_471 = arith.constant 7 : index
    %swap3A_472 = arith.constant 0 : index
    %swap3A_473 = vector.load %arg3[%swap3A_471, %swap3A_472] : memref<8x65536xf32, #tpu.memory_space<vmem>>, vector<1x65536xf32>
    %swap3A_474 = vector.shape_cast %swap3A_473 : vector<1x65536xf32> to vector<65536xf32>
    %swap3A_475 = vector.shape_cast %mul3A_470 : vector<65536xf32> to vector<1x65536xf32>
    tpu.vector_store %arg3[%swap3A_471, %swap3A_472], %swap3A_475 {strides = array<i32>} : memref<8x65536xf32, #tpu.memory_space<vmem>>, vector<1x65536xf32>,
    return
  }
  func.func @transform_0(%arg0: i32) -> (i32, i32) {
    %c0_i32 = arith.constant 0 : i32
    %c0_i32_0 = arith.constant 0 : i32
    return %arg0, %c0_i32 : i32, i32
  }
  func.func @transform_1(%arg0: i32) -> (i32, i32, i32) {
    %c0_i32 = arith.constant 0 : i32
    %c0_i32_0 = arith.constant 0 : i32
    %c0_i32_1 = arith.constant 0 : i32
    return %arg0, %c0_i32, %c0_i32_0 : i32, i32, i32
  }
  func.func @transform_2(%arg0: i32) -> (i32, i32) {
    %c0_i32 = arith.constant 0 : i32
    %c0_i32_0 = arith.constant 0 : i32
    return %arg0, %c0_i32 : i32, i32
  }
}

</mosaic_0001>

<sc_bundles>
// kernel: kernel.4.cloned.1.call-start
scs
__scs_entry_jumppad:
0x0: {  	(pc) =	sbr.rel $0x88, $3  }
0x1: {  	(tag) =	ssettag $0x0;
	lr =	simm.s32 $0x1  }
0x2: {  	[smem:$0x3F9F] =	sst lr;
	_ =	strace $0xD0000000  }
0x3: {  	_ = 	snop  }
0x4: {  	_ = 	snop  }
0x5: {  	_ = 	snop  }
0x6: {  	_ = 	snop  }
0x7: {  	_ = 	snop  }
__scs_overlays_trampoline_lowered:
0x8: {  	[smem:$0x3FAE] =	sst s0  }
0x9: {  	[smem:$0x3FAF] =	sst s1  }
0xa: {  	[smem:$0x3FB0] =	sst s2  }
0xb: {  	[smem:$0x3FB1] =	sst s3  }
0xc: {  	[smem:$0x3FB2] =	sst s4  }
0xd: {  	[smem:$0x3FB3] =	sst s5  }
0xe: {  	[smem:$0x3FB4] =	sst s6  }
0xf: {  	[smem:$0x3FB5] =	sst s7  }
0x10: {  	[smem:$0x3FB6] =	sst s8  }
0x11: {  	[smem:$0x3FB7] =	sst s9;
	s0 =	simm.s32 @!p0 $0x0  }
0x12: {  	s1 =	sld [smem:$0x3F9D];
	s0 =	simm.s32 @p0 $0x1  }
0x13: {  	[smem:$0x3FB8] =	sst s0;
	s0 =	simm.s32 @!p1 $0x0  }
0x14: {  	s2 =	sld [smem:$0x3F9C];
	s0 =	simm.s32 @p1 $0x1  }
0x15: {  	[smem:$0x3FB9] =	sst s0;
	s0 =	simm.s32 @!p2 $0x0  }
0x16: {  	s3 =	sld [smem:$0x3FDB];
	s0 =	simm.s32 @p2 $0x1  }
0x17: {  	s4 =	simm.s32 $0x1BF5;
	[smem:$0x3FBB] =	sst s0  }
0x18: {  	s0 =	sld [smem:$0x3F9E];
	_ =	swait.ge [sflag:s4], $0x0  }
0x19: {  	s7 =	sld [smem:$0x3F9F]  }
0x1a: {  	s8 =	sadd.s32 $0xFFFFE003, lr  }
0x1b: {  	s9 =	sadd.s32 $0xFFFFFEF7, lr;
	s5 =	simm.s32 $0xFFFFFFFF;
	p2 =	slt.u32 s8, $0xFFFFF086  }
0x1c: {  	p1 =	slt.u32 s9, $0xF7A;
	s5 =	simm.s32 @!p2 $0x0  }
0x1d: {  	s5 =	simm.s32 @p1 $0x1;
	p0 =	seq.s32 s7, s2  }
0x1e: {  	s7 =	smul.u32 @!p0 $0xF7A, s2;
	p2 =	seq.s32 @!p0 s5, $0x0  }
0x1f: {  	s9 =	smul.u32 $0xF7A, s1;
	s8 =	simm.s32 @!p0 $0x1BF5;
	p2 =	por !p2, p0  }
0x20: {  	[sflag:s8] =	ssyncset.s32 @!p0 $0xFFFFF086;
	s6 =	sadd.s32 @!p0 s3, s7;
	s7 =	simm.s32 @!p0 $0x108  }
0x21: {  	s3 =	sadd.s32 s3, s9;
	s6 =	sadd.s32 @!p0 $0x88, s6;
	s7 =	simm.s32 @p2 $0x1082  }
0x22: {  	[simem:s7], [sflag:s8] =	dma.local @!p0 [hbm:s6], $0xF7A  }
0x23: {  	s9 =	sor.u32 $0xD0000000, s2;
	s6 =	simm.s32 $0x108;
	_ =	swait.ge @!p0 [sflag:s8], $0x0  }
0x24: {  	s3 =	sadd.s32 $0x88, s3;
	s6 =	simm.s32 @!p1 $0x1082;
	[sflag:s4] =	ssyncset.s32 $0xFFFFF086  }
0x25: {  	[simem:s6], [sflag:s4] =	dma.local [hbm:s3], $0xF7A  }
0x26: {  	[smem:$0x3F9F] =	sst s1;
	(tag) =	ssettag s2;
	_ =	strace s9  }
0x27: {  	s1 =	sld [smem:$0x3FAF]  }
0x28: {  	s2 =	sld [smem:$0x3FB0]  }
0x29: {  	s4 =	sld [smem:$0x3FB2]  }
0x2a: {  	p0 =	seq.s32 s5, $0x0;
	s5 =	sld [smem:$0x3FB3]  }
0x2b: {  	s6 =	sld [smem:$0x3FB4]  }
0x2c: {  	s7 =	sld [smem:$0x3FB5]  }
0x2d: {  	s3 =	simm.s32 $0x108;
	s8 =	sld [smem:$0x3FB6]  }
0x2e: {  	s3 =	simm.s32 @!p0 $0x1082;
	s9 =	sld [smem:$0x3FB7]  }
0x2f: {  	lr =	sadd.s32 s0, s3;
	s0 =	sld [smem:$0x3FAE]  }
0x30: {  	s3 =	sld [smem:$0x3FB1]  }
0x31: {  	[smem:$0x3FBA] =	sst s10  }
0x32: {  	s10 =	sld [smem:$0x3FB8];
	_ =	sdelay $0x3  }
0x33: {  	p0 =	seq.s32 s10, $0x1;
	s10 =	sld [smem:$0x3FBA];
	_ =	sdelay $0x3  }
0x34: {  	[smem:$0x3FBA] =	sst s10  }
0x35: {  	s10 =	sld [smem:$0x3FB9];
	_ =	sdelay $0x3  }
0x36: {  	p1 =	seq.s32 s10, $0x1;
	s10 =	sld [smem:$0x3FBA];
	_ =	sdelay $0x3  }
0x37: {  	[smem:$0x3FBA] =	sst s10  }
0x38: {  	s10 =	sld [smem:$0x3FBB]  }
0x39: {  	_ = 	snop;
	(pc) =	sbr.ind lr, $3  }
0x3a: {  	_ = 	snop  }
0x3b: {  	_ = 	snop  }
0x3c: {  	p2 =	seq.s32 s10, $0x1;
	s10 =	sld [smem:$0x3FBA]  }
0x3d: {  	_ =	shalt  }
0x3e: {  	_ =	shalt  }
0x3f: {  	_ =	shalt  }
0x40: {  	_ =	shalt  }
0x41: {  	_ =	shalt  }
0x42: {  	_ =	shalt  }
0x43: {  	_ =	shalt  }
0x44: {  	_ =	shalt  }
0x45: {  	_ =	shalt  }
0x46: {  	_ =	shalt  }
0x47: {  	_ =	shalt  }
0x48: {  	_ =	shalt  }
0x49: {  	_ =	shalt  }
0x4a: {  	_ =	shalt  }
0x4b: {  	_ =	shalt  }
0x4c: {  	_ =	shalt  }
0x4d: {  	_ =	shalt  }
0x4e: {  	_ =	shalt  }
0x4f: {  	_ =	shalt  }
0x50: {  	_ =	shalt  }
0x51: {  	_ =	shalt  }
0x52: {  	_ =	shalt  }
0x53: {  	_ =	shalt  }
0x54: {  	_ =	shalt  }
0x55: {  	_ =	shalt  }
0x56: {  	_ =	shalt  }
0x57: {  	_ =	shalt  }
0x58: {  	_ =	shalt  }
0x59: {  	_ =	shalt  }
0x5a: {  	_ =	shalt  }
0x5b: {  	_ =	shalt  }
0x5c: {  	_ =	shalt  }
0x5d: {  	_ =	shalt  }
0x5e: {  	_ =	shalt  }
0x5f: {  	_ =	shalt  }
0x60: {  	_ =	shalt  }
0x61: {  	_ =	shalt  }
0x62: {  	_ =	shalt  }
0x63: {  	_ =	shalt  }
0x64: {  	_ =	shalt  }
0x65: {  	_ =	shalt  }
0x66: {  	_ =	shalt  }
0x67: {  	_ =	shalt  }
0x68: {  	_ =	shalt  }
0x69: {  	_ =	shalt  }
0x6a: {  	_ =	shalt  }
0x6b: {  	_ =	shalt  }
0x6c: {  	_ =	shalt  }
0x6d: {  	_ =	shalt  }
0x6e: {  	_ =	shalt  }
0x6f: {  	_ =	shalt  }
0x70: {  	_ =	shalt  }
0x71: {  	_ =	shalt  }
0x72: {  	_ =	shalt  }
0x73: {  	_ =	shalt  }
0x74: {  	_ =	shalt  }
0x75: {  	_ =	shalt  }
0x76: {  	_ =	shalt  }
0x77: {  	_ =	shalt  }
0x78: {  	_ =	shalt  }
0x79: {  	_ =	shalt  }
0x7a: {  	_ =	shalt  }
0x7b: {  	_ =	shalt  }
0x7c: {  	_ =	shalt  }
0x7d: {  	_ =	shalt  }
0x7e: {  	_ =	shalt  }
0x7f: {  	_ =	shalt  }
0x80: {  	_ =	shalt  }
0x81: {  	_ =	shalt  }
0x82: {  	_ =	shalt  }
0x83: {  	_ =	shalt  }
0x84: {  	_ =	shalt  }
0x85: {  	_ =	shalt  }
0x86: {  	_ =	shalt  }
0x87: {  	_ =	shalt  }
.Lfunc_end0:
.L_simem_size_0:
called_computation_lowered:
.L_overlay_start_0:
0x88: {  	s2 =	sld [smem:$0x3FD9]  }
0x89: {  	s3 =	sld [smem:$0x3FFE];
	_ =	sdelay $0x1  }
0x8a: {  	s1 =	srdreg.scid  }
0x8b: {  	s0 =	sand.u32 $0x1, s1  }
0x8c: {  	s16 =	sshll.u32 s0, $0xA;
	s2 =	sadd.s32 s3, s2  }
0x8d: {  	s2 =	sadd.s32 s2, s16  }
0x8e: {  	[smem:$0x3FC6] =	sst s2  }
0x8f: {  	_ = 	snop  }
0x90: {  	(tm) =	ssettm $0x1  }
0x91: {  	s17 =	sld [smem:$0x3FFB];
	_ =	sdelay $0x3  }
0x92: {  	_ =	strace s17  }
0x93: {  	s2 =	sld [smem:$0x3FFC];
	_ =	sdelay $0x3  }
0x94: {  	_ =	strace s2  }
0x95: {  	s2 =	sld [smem:$0x3FFD];
	_ =	sdelay $0x3  }
0x96: {  	_ =	strace s2  }
0x97: {  	_ =	strace $0x8FFFFFFF  }
0x98: {  	s18 =	sld [smem:$0x3FDB];
	_ =	sdelay $0x1  }
0x99: {  	s19 =	simm.s32 $_scs_section_size  }
0x9a: {  	s4 =	simm.s32 $_size__tile_overlayer_lowered;
	s5 =	simm.s32 $_tile_overlayer_lowered  }
0x9b: {  	s22 =	simm.s32 $0x1BFF;
	s21 =	sshll.u32 s5, $0x1;
	s2 =	sadd.s32 s19, s18  }
0x9c: {  	s6 =	simm.s32 $0x0;
	s20 =	sshll.u32 s4, $0x1;
	s4 =	sadd.s32 s21, s2  }
0x9d: {  	[timem:s6], [sflag:s22] =	dma.local [hbm:s4], s20  }
0x9e: {  	_ =	swait.ge [sflag:s22], s20  }
0x9f: {  	s3 =	ssub.s32 $0x0, s20;
	[sflag:s22] =	ssyncset.done $0x0  }
0xa0: {  	[sflag:s22] =	ssyncadd.s32 s3;
	_ =	sdelay $0x1  }
0xa1: {  	s23 =	simm.s32 $0x1B8B  }
0xa2: {  	_ =	swait.ge [sflag:s23], $0x1  }
0xa3: {  	[sflag:s23] =	ssyncset.done $0x0  }
0xa4: {  	s25 =	simm.s32 $0x1B8E;
	s24 =	sld [smem:$0x3FFE];
	[sflag:s23] =	ssyncadd.s32 $0xFFFFFFFF  }
0xa5: {  	s26 =	simm.s32 $execute0_lowered;
	[smem:$0x3FD2] =	sst s25  }
0xa6: {  	s4 =	sshll.u32 s26, $0x1;
	_ =	strace $0x80000046;
	[dreg:$0x1] =	wrdreg $0xFFFFFFFF  }
0xa7: {  	s28 =	simm.s32 $_size_execute0_lowered;
	s2 =	sadd.s32 s2, s4;
	[dreg:$0x0] =	wrdreg $0x0  }
0xa8: {  	s4 =	sshll.u32 s28, $0x1;
	[dreg:$0x2] =	wrdreg s2  }
0xa9: {  	[dreg:$0x3] =	wrdreg s4  }
0xaa: {  	[dreg:$0x4] =	wrdreg $0xC0  }
0xab: {  	_ =	task [dreg:s6], $0x5FFFF  }
0xac: {  	[dreg:$0x1] =	wrdreg $0xFFFFFFFF  }
0xad: {  	[dreg:$0x0] =	wrdreg $0x60  }
0xae: {  	[dreg:$0x2] =	wrdreg s24  }
0xaf: {  	[dreg:$0x3] =	wrdreg $0x9  }
0xb0: {  	_ =	task.clear_ibuf [dreg:s6], $0x4FFFF;
	_ =	strace $0x90000046  }
0xb1: {  	s29 =	simm.s32 $0x9;
	_ =	strace $0x80000048  }
0xb2: {  	_ =	swait.ge [sflag:s29], $0x1  }
0xb3: {  	[sflag:s29] =	ssyncadd.s32 $0xFFFFFFFF  }
0xb4: {  	_ =	strace $0x90000048  }
0xb5: {  	_ =	sfence  }
0xb6: {  	s30 =	sld [smem:$0x0];
	_ =	sdelay $0x2  }
0xb7: {  	s31 =	sshll.u32 s1, $0xD;
	s1 =	sshrl.u32 s1, $0x2  }
0xb8: {  	s3 =	sand.u32 $0x4000, s31;
	s1 =	sadd.s32 s1, s30  }
0xb9: {  	s0 =	sor.u32 s3, s0;
	s1 =	sshll.u32 s1, $0x11  }
0xba: {  	s0 =	sor.u32 s1, s0  }
0xbb: {  	s0 =	sadd.s32 $0x8F2B, s0  }
0xbc: {  	[sflag:s0] =	ssyncadd.remote.s32 $0x1  }
0xbd: {  	_ =	sfence.sel $0xFFFF  }
0xbe: {  	[dreg:$0x0] =	wrdreg $0xFFFFFFFF;
	(pc) =	sbr.abs _section_cstart, $3  }
0xbf: {  	[dreg:$0x1] =	wrdreg $0xFFFFFFFF  }
0xc0: {  	_ =	task.clear_ibuf [dreg:s6], $0x2FFFF;
	_ =	strace $0x9FFFFFFF  }
0xc1: {  	(tm) =	ssettm $0x7FFFFFFF  }
tec
execute0_lowered:
.L_overlay_start_1:
0x0: {  	(tag) =	ssettag $0x1  }
0x1: {  	s3 =	rddreg [dreg:$0x0];
	s2 =	srdreg.scid  }
0x2: {  	s0 =	rddreg [dreg:$0x1];
	s1 =	stileid.u32;
	s12 =	simm.s32 $0x1  }
0x3: {  	s13 =	simm.s32 $0x0;
	s4 =	sand.u32 $0x1, s2;
	s2 =	simm.s32 $0x0  }
0x4: {  	s5 =	sshll.u32 s1, $0x10;
	s6 =	sshll.u32 s4, $0xF;
	s4 =	ssub.s32 $0x2, s4  }
0x5: {  	[smem:$0x7FF] =	sst s2;
	s5 =	sor.u32 s6, s5;
	s31 =	sshrl.u32 s4, $0x1  }
0x6: {  	_ =	strace $0x80000047;
	s10 =	sadd.s32 s5, s3;
	s11 =	ssub.s32 s4, s31  }
0x7: {  	s3 =	sadd.s32 $0x600, s10;
	s4 =	sadd.s32 $0x1600, s10;
	s5 =	sadd.s32 $0x2600, s10  }
0x8: {  	s6 =	sadd.s32 $0x3600, s10;
	s7 =	sadd.s32 $0x4600, s10;
	s8 =	sadd.s32 $0x5600, s10  }
0x9: {  	v0 =	vimm.f32 $1.525878910e-05;
	s9 =	sadd.s32 $0x6600, s10;
	s10 =	sadd.s32 $0x7600, s10;
	s11 =	smax.u32 s11, $0x1  }
.LBB2_1:
0xa: {  	s14 =	simm.s32 $0x40;
	s15 =	simm.s32 $0x0  }
.LBB2_2:
0xb: {  	p0 =	sne.s32 s14, $0x1FFC0;
	[tilespmem:s15+$0x0] =	vst v0;
	s15 =	smov.u32 s14;
	s14 =	sadd.s32 $0x40, s14  }
.Ltmp0:
0xc: {  	(pc) =	sbr.rel @p0 .LBB2_2-.Ltmp0, $2  }
0xd: {  	_ =	sdelay $0x2  }
0xe: {  	s15 =	sshra.s32 s15, $0x2  }
0xf: {  	[tilespmem:s15+$0x0] =	vst v0  }
0x10: {  	[hbm4b:s3+s2] =	stream.linear.scatter [tilespmem:s2], [sflag:$0x1], $0x8000, $0x38;
	[tilespmem:$0x8000] =	vst v63  }
0x11: {  	_ =	swait.ge [sflag:s12], $0x8000  }
0x12: {  	[sflag:s12] =	ssyncset.done $0x0  }
0x13: {  	[sflag:s12] =	ssyncadd.s32 $0xFFFF8000  }
0x14: {  	[hbm4b:s4+s2] =	stream.linear.scatter [tilespmem:s2], [sflag:$0x1], $0x8000, $0x38;
	[tilespmem:$0x8000] =	vst v63  }
0x15: {  	_ =	swait.ge [sflag:s12], $0x8000  }
0x16: {  	[sflag:s12] =	ssyncset.done $0x0  }
0x17: {  	[sflag:s12] =	ssyncadd.s32 $0xFFFF8000  }
0x18: {  	[hbm4b:s5+s2] =	stream.linear.scatter [tilespmem:s2], [sflag:$0x1], $0x8000, $0x38;
	[tilespmem:$0x8000] =	vst v63  }
0x19: {  	_ =	swait.ge [sflag:s12], $0x8000  }
0x1a: {  	[sflag:s12] =	ssyncset.done $0x0  }
0x1b: {  	[sflag:s12] =	ssyncadd.s32 $0xFFFF8000  }
0x1c: {  	[hbm4b:s6+s2] =	stream.linear.scatter [tilespmem:s2], [sflag:$0x1], $0x8000, $0x38;
	[tilespmem:$0x8000] =	vst v63  }
0x1d: {  	_ =	swait.ge [sflag:s12], $0x8000  }
0x1e: {  	[sflag:s12] =	ssyncset.done $0x0  }
0x1f: {  	[sflag:s12] =	ssyncadd.s32 $0xFFFF8000  }
0x20: {  	[hbm4b:s7+s2] =	stream.linear.scatter [tilespmem:s2], [sflag:$0x1], $0x8000, $0x38;
	[tilespmem:$0x8000] =	vst v63  }
0x21: {  	_ =	swait.ge [sflag:s12], $0x8000  }
0x22: {  	[sflag:s12] =	ssyncset.done $0x0  }
0x23: {  	[sflag:s12] =	ssyncadd.s32 $0xFFFF8000  }
0x24: {  	[hbm4b:s8+s2] =	stream.linear.scatter [tilespmem:s2], [sflag:$0x1], $0x8000, $0x38;
	[tilespmem:$0x8000] =	vst v63  }
0x25: {  	_ =	swait.ge [sflag:s12], $0x8000  }
0x26: {  	[sflag:s12] =	ssyncset.done $0x0  }
0x27: {  	[sflag:s12] =	ssyncadd.s32 $0xFFFF8000  }
0x28: {  	[hbm4b:s9+s2] =	stream.linear.scatter [tilespmem:s2], [sflag:$0x1], $0x8000, $0x38;
	[tilespmem:$0x8000] =	vst v63  }
0x29: {  	s13 =	sadd.s32 $0x1, s13;
	_ =	swait.ge [sflag:s12], $0x8000  }
0x2a: {  	p0 =	sne.s32 s13, s11;
	[sflag:s12] =	ssyncset.done $0x0  }
.Ltmp1:
0x2b: {  	[sflag:s12] =	ssyncadd.s32 $0xFFFF8000;
	(pc) =	sbr.rel @p0 .LBB2_1-.Ltmp1, $4  }
0x2c: {  	[hbm4b:s10+s2] =	stream.linear.scatter [tilespmem:s2], [sflag:$0x1], $0x8000, $0x38;
	[tilespmem:$0x8000] =	vst v63  }
0x2d: {  	_ =	swait.ge [sflag:s12], $0x8000  }
0x2e: {  	[sflag:s12] =	ssyncset.done $0x0  }
0x2f: {  	[sflag:s12] =	ssyncadd.s32 $0xFFFF8000  }
0x30: {  	_ =	sfence.sel $0x180000  }
0x31: {  	[bflag:$0x0] =	sbarrier.arrive $0xFFFF  }
0x32: {  	p0 =	sne.s32 s1, $0x0;
	_ =	strace $0x90000047  }
0x33: {  	s0 =	sadd.s32 @!p0 $0x100000, s0;
	[bflag:$0x2] =	sbarrier.arrive $0xFFFF  }
0x34: {  	[sflag:s0] =	ssyncadd.tile.s32 @!p0 $0x1;
	_ =	shalt  }
.Lfunc_end2:
_tile_overlayer_lowered:
.L_overlay_start_2:
0x35: {  	(tag) =	ssettag $0x2  }
0x36: {  	s0 =	rddreg [dreg:$0x0];
	s2 =	stileid.u32  }
0x37: {  	s1 =	rddreg [dreg:$0x1];
	p0 =	sne.s32 s2, $0x0  }
0x38: {  	s3 =	rddreg [dreg:$0x2];
	[bflag:$0x3] =	sbarrier.arrive $0xFFFF;
	s2 =	simm.s32 @!p0 $0x1C01  }
0x39: {  	[timem:s3], [sflag:s2] =	dma.local @!p0 [hbm:s0], s1  }
0x3a: {  	s0 =	simm.s32 @!p0 $0x1  }
0x3b: {  	_ =	swait.ge @!p0 [sflag:s0], s1  }
0x3c: {  	s1 =	ssub.s32 @!p0 $0x0, s1;
	[sflag:s0] =	ssyncset.done @!p0 $0x0  }
0x3d: {  	[sflag:s0] =	ssyncadd.s32 @!p0 s1  }
0x3e: {  	[bflag:$0x3] =	sbarrier.arrive $0xFFFF  }
0x3f: {  	_ =	shalt  }

</sc_bundles>
